<compile_context>
chip_gen: v7x
topology: tpu7x:2x2x1
jax: 0.10.2.dev20260603
libtpu: 0.0.44.dev20260713+nightly
codegen_flags: <defaults>
</compile_context>

<pallas_src>
import functools

import jax
import jax.numpy as jnp
from jax import lax
from jax.experimental import pallas as pl
from jax.experimental.pallas import tpu as pltpu
from jax.experimental.pallas import tpu_sc as plsc

_LANES = 16
_NCHUNK = 2


def _sc_lookup(table_flat, ncols, z, charge):
    n = z.shape[0]
    info = plsc.get_sparse_core_info()
    nw = info.num_cores * info.num_subcores
    per_w = n // nw
    chunk = per_w // _NCHUNK
    tflat = table_flat.shape[0]
    mesh = plsc.VectorSubcoreMesh(core_axis_name="c", subcore_axis_name="s")

    @functools.partial(
        pl.kernel,
        mesh=mesh,
        out_type=jax.ShapeDtypeStruct((n,), jnp.float32),
        compiler_params=pltpu.CompilerParams(needs_layout_passes=False),
        scratch_types=[
            pltpu.VMEM((tflat,), jnp.float32),
            pltpu.VMEM((per_w,), jnp.int32),
            pltpu.VMEM((per_w,), jnp.int32),
            pltpu.VMEM((per_w,), jnp.float32),
            pltpu.SemaphoreType.DMA,
        ]
        + [pltpu.SemaphoreType.DMA] * _NCHUNK,
    )
    def k(table_hbm, z_hbm, q_hbm, out_hbm, t_v, z_v, q_v, o_v, sem_o, *sems):
        wid = lax.axis_index("s") * info.num_cores + lax.axis_index("c")
        base = wid * per_w

        cps = []
        for g in range(_NCHUNK):
            lo = g * chunk
            cps.append(
                (
                    pltpu.async_copy(
                        z_hbm.at[pl.ds(base + lo, chunk)],
                        z_v.at[pl.ds(lo, chunk)],
                        sems[g],
                    ),
                    pltpu.async_copy(
                        q_hbm.at[pl.ds(base + lo, chunk)],
                        q_v.at[pl.ds(lo, chunk)],
                        sems[g],
                    ),
                )
            )
        pltpu.sync_copy(table_hbm, t_v)

        cp_o = []
        for g in range(_NCHUNK):
            lo = g * chunk
            cps[g][0].wait()
            cps[g][1].wait()

            @plsc.parallel_loop(lo, lo + chunk, _LANES, unroll=16)
            def body(off):
                z16 = z_v[pl.ds(off, _LANES)]
                q16 = q_v[pl.ds(off, _LANES)]
                idx = z16 * ncols + q16
                o_v[pl.ds(off, _LANES)] = plsc.load_gather(t_v, [idx])

            cp_o.append(
                pltpu.async_copy(
                    o_v.at[pl.ds(lo, chunk)],
                    out_hbm.at[pl.ds(base + lo, chunk)],
                    sem_o,
                )
            )
        for cp in cp_o:
            cp.wait()

    return k(table_flat, z, charge)


def kernel(z, charge, energy_table):
    return _sc_lookup(energy_table.reshape(-1), energy_table.shape[1], z, charge)

# --- scband reference (transcript-rebuilt; emitter-appended) ---
"""Pipeline reference for scband-atomic-energies-block-52364241273300 (READ-ONLY COPY).

The authoritative reference and input builder live on the scoring server;
editing this copy changes nothing except your own understanding.
"""

import jax, jax.numpy as jnp
import numpy as np

N = 1048576
Z_MAX = 35
CHARGE_OFFSET = 0
N_CHARGES = 3


def _build_energy_table():
    zs = np.arange(Z_MAX + 1, dtype=np.float32)
    qs = np.arange(N_CHARGES, dtype=np.float32)
    # energy_table[z, q] = -(z + 0.1*q), matching the z_charge_energy dict in init_kwargs
    table = -(zs[:, None] + 0.1 * qs[None, :])
    return jnp.asarray(table, dtype=jnp.float32)


def setup_inputs(seed: int = 0) -> dict:
    key = jax.random.key(seed)
    k1, k2 = jax.random.split(key)
    z = jax.random.randint(k1, (N,), 0, Z_MAX + 1, dtype=jnp.int32)
    charge = jax.random.randint(k2, (N,), 0, N_CHARGES, dtype=jnp.int32)
    energy_table = _build_energy_table()
    return {"z": z, "charge": charge, "energy_table": energy_table}


def reference(z, charge, energy_table):
    # AtomicEnergiesBlock.forward: energies = energy_table[z, charge + charge_offset]
    charge_idx = charge + CHARGE_OFFSET
    energies = energy_table[z, charge_idx]
    return energies

if __name__ == "__main__":
    import jax
    _d = setup_inputs()
    print(jax.jit(kernel)(*tuple(_d.values())))

</pallas_src>

<mosaic_0001>
#map = affine_map<(d0, d1) -> (0)>
module attributes {stable_mosaic.version = 14 : i64} {
  func.func @k(%arg0: i32, %arg1: i32, %arg2: memref<108xf32, #tpu.memory_space<hbm>>, %arg3: memref<1048576xi32, #tpu.memory_space<hbm>>, %arg4: memref<1048576xi32, #tpu.memory_space<hbm>>, %arg5: memref<1048576xf32, #tpu.memory_space<hbm>>, %arg6: memref<108xf32, #tpu.memory_space<vmem>>, %arg7: memref<32768xi32, #tpu.memory_space<vmem>>, %arg8: memref<32768xi32, #tpu.memory_space<vmem>>, %arg9: memref<32768xf32, #tpu.memory_space<vmem>>, %arg10: memref<!tpu.dma_semaphore, #tpu.memory_space<semaphore_mem>>, %arg11: memref<!tpu.dma_semaphore, #tpu.memory_space<semaphore_mem>>, %arg12: memref<!tpu.dma_semaphore, #tpu.memory_space<semaphore_mem>>) attributes {dimension_semantics = [#tpu.dimension_semantics<core_parallel>, #tpu.dimension_semantics<subcore_parallel>], iteration_bounds = array<i64: 2, 16>, scalar_prefetch = 0 : i64, scratch_operands = 7 : i64, tpu.core_type = #tpu.core_type<sc_vector_subcore>, window_params = [{transform_indices = #map}, {transform_indices = #map}, {transform_indices = #map}, {transform_indices = #map}]} {
    %mul3A = arith.constant 2 : i32
    %mul3A_0 = arith.muli %arg1, %mul3A : i32
    %add3A = arith.addi %mul3A_0, %arg0 : i32
    %mul3A_1 = arith.constant 32768 : i32
    %mul3A_2 = arith.muli %add3A, %mul3A_1 : i32
    %add3A_3 = arith.constant 0 : i32
    %add3A_4 = arith.addi %mul3A_2, %add3A_3 : i32
    %dma_start3A = arith.constant 0 : i32
    %dma_start3A_5 = tpu.memref_slice %arg7[%dma_start3A] : memref<32768xi32, #tpu.memory_space<vmem>> -> memref<16384xi32, #tpu.memory_space<vmem>>
    %dma_start3A_6 = tpu.memref_slice %arg3[%add3A_4] : memref<1048576xi32, #tpu.memory_space<hbm>> -> memref<16384xi32, #tpu.memory_space<hbm>>
    %dma_start3A_7 = arith.constant 0 : i32
    %dma_start3A_8 = tpu.memref_slice %arg7[%dma_start3A_7] : memref<32768xi32, #tpu.memory_space<vmem>> -> memref<16384xi32, #tpu.memory_space<vmem>>
    %dma_start3A_9 = tpu.memref_slice %arg3[%add3A_4] : memref<1048576xi32, #tpu.memory_space<hbm>> -> memref<16384xi32, #tpu.memory_space<hbm>>
    tpu.enqueue_dma source(%dma_start3A_9 : memref<16384xi32, #tpu.memory_space<hbm>>) target(%dma_start3A_8 : memref<16384xi32, #tpu.memory_space<vmem>>) target_semaphore(%arg11 : memref<!tpu.dma_semaphore, #tpu.memory_space<semaphore_mem>>)
    %add3A_10 = arith.constant 0 : i32
    %add3A_11 = arith.addi %mul3A_2, %add3A_10 : i32
    %dma_start3A_12 = arith.constant 0 : i32
    %dma_start3A_13 = tpu.memref_slice %arg8[%dma_start3A_12] : memref<32768xi32, #tpu.memory_space<vmem>> -> memref<16384xi32, #tpu.memory_space<vmem>>
    %dma_start3A_14 = tpu.memref_slice %arg4[%add3A_11] : memref<1048576xi32, #tpu.memory_space<hbm>> -> memref<16384xi32, #tpu.memory_space<hbm>>
    %dma_start3A_15 = arith.constant 0 : i32
    %dma_start3A_16 = tpu.memref_slice %arg8[%dma_start3A_15] : memref<32768xi32, #tpu.memory_space<vmem>> -> memref<16384xi32, #tpu.memory_space<vmem>>
    %dma_start3A_17 = tpu.memref_slice %arg4[%add3A_11] : memref<1048576xi32, #tpu.memory_space<hbm>> -> memref<16384xi32, #tpu.memory_space<hbm>>
    tpu.enqueue_dma source(%dma_start3A_17 : memref<16384xi32, #tpu.memory_space<hbm>>) target(%dma_start3A_16 : memref<16384xi32, #tpu.memory_space<vmem>>) target_semaphore(%arg11 : memref<!tpu.dma_semaphore, #tpu.memory_space<semaphore_mem>>)
    %add3A_18 = arith.constant 16384 : i32
    %add3A_19 = arith.addi %mul3A_2, %add3A_18 : i32
    %dma_start3A_20 = arith.constant 16384 : i32
    %dma_start3A_21 = tpu.memref_slice %arg7[%dma_start3A_20] : memref<32768xi32, #tpu.memory_space<vmem>> -> memref<16384xi32, #tpu.memory_space<vmem>>
    %dma_start3A_22 = tpu.memref_slice %arg3[%add3A_19] : memref<1048576xi32, #tpu.memory_space<hbm>> -> memref<16384xi32, #tpu.memory_space<hbm>>
    %dma_start3A_23 = arith.constant 16384 : i32
    %dma_start3A_24 = tpu.memref_slice %arg7[%dma_start3A_23] : memref<32768xi32, #tpu.memory_space<vmem>> -> memref<16384xi32, #tpu.memory_space<vmem>>
    %dma_start3A_25 = tpu.memref_slice %arg3[%add3A_19] : memref<1048576xi32, #tpu.memory_space<hbm>> -> memref<16384xi32, #tpu.memory_space<hbm>>
    tpu.enqueue_dma source(%dma_start3A_25 : memref<16384xi32, #tpu.memory_space<hbm>>) target(%dma_start3A_24 : memref<16384xi32, #tpu.memory_space<vmem>>) target_semaphore(%arg12 : memref<!tpu.dma_semaphore, #tpu.memory_space<semaphore_mem>>)
    %add3A_26 = arith.constant 16384 : i32
    %add3A_27 = arith.addi %mul3A_2, %add3A_26 : i32
    %dma_start3A_28 = arith.constant 16384 : i32
    %dma_start3A_29 = tpu.memref_slice %arg8[%dma_start3A_28] : memref<32768xi32, #tpu.memory_space<vmem>> -> memref<16384xi32, #tpu.memory_space<vmem>>
    %dma_start3A_30 = tpu.memref_slice %arg4[%add3A_27] : memref<1048576xi32, #tpu.memory_space<hbm>> -> memref<16384xi32, #tpu.memory_space<hbm>>
    %dma_start3A_31 = arith.constant 16384 : i32
    %dma_start3A_32 = tpu.memref_slice %arg8[%dma_start3A_31] : memref<32768xi32, #tpu.memory_space<vmem>> -> memref<16384xi32, #tpu.memory_space<vmem>>
    %dma_start3A_33 = tpu.memref_slice %arg4[%add3A_27] : memref<1048576xi32, #tpu.memory_space<hbm>> -> memref<16384xi32, #tpu.memory_space<hbm>>
    tpu.enqueue_dma source(%dma_start3A_33 : memref<16384xi32, #tpu.memory_space<hbm>>) target(%dma_start3A_32 : memref<16384xi32, #tpu.memory_space<vmem>>) target_semaphore(%arg12 : memref<!tpu.dma_semaphore, #tpu.memory_space<semaphore_mem>>)
    "tpu.region"() ({
      %run_scoped3A = tpu.sem_alloc : memref<!tpu.dma_semaphore, #tpu.memory_space<semaphore_mem>>
      tpu.enqueue_dma source(%arg2 : memref<108xf32, #tpu.memory_space<hbm>>) target(%arg6 : memref<108xf32, #tpu.memory_space<vmem>>) target_semaphore(%run_scoped3A : memref<!tpu.dma_semaphore, #tpu.memory_space<semaphore_mem>>)
      tpu.wait_dma2 semaphore(%run_scoped3A : memref<!tpu.dma_semaphore, #tpu.memory_space<semaphore_mem>>) src(%arg2 : memref<108xf32, #tpu.memory_space<hbm>>) dst(%arg6 : memref<108xf32, #tpu.memory_space<vmem>>)
      tpu.yield
    }) : () -> ()
    %dma_wait3A = arith.constant 0 : i32
    %dma_wait3A_34 = tpu.memref_slice %arg7[%dma_wait3A] : memref<32768xi32, #tpu.memory_space<vmem>> -> memref<16384xi32, #tpu.memory_space<vmem>>
    %dma_wait3A_35 = tpu.memref_slice %arg3[%add3A_4] : memref<1048576xi32, #tpu.memory_space<hbm>> -> memref<16384xi32, #tpu.memory_space<hbm>>
    %dma_wait3A_36 = arith.constant 0 : i32
    %dma_wait3A_37 = tpu.memref_slice %arg7[%dma_wait3A_36] : memref<32768xi32, #tpu.memory_space<vmem>> -> memref<16384xi32, #tpu.memory_space<vmem>>
    %dma_wait3A_38 = tpu.memref_slice %arg3[%add3A_4] : memref<1048576xi32, #tpu.memory_space<hbm>> -> memref<16384xi32, #tpu.memory_space<hbm>>
    tpu.wait_dma2 semaphore(%arg11 : memref<!tpu.dma_semaphore, #tpu.memory_space<semaphore_mem>>) src(%dma_wait3A_38 : memref<16384xi32, #tpu.memory_space<hbm>>) dst(%dma_wait3A_37 : memref<16384xi32, #tpu.memory_space<vmem>>)
    %dma_wait3A_39 = arith.constant 0 : i32
    %dma_wait3A_40 = tpu.memref_slice %arg8[%dma_wait3A_39] : memref<32768xi32, #tpu.memory_space<vmem>> -> memref<16384xi32, #tpu.memory_space<vmem>>
    %dma_wait3A_41 = tpu.memref_slice %arg4[%add3A_11] : memref<1048576xi32, #tpu.memory_space<hbm>> -> memref<16384xi32, #tpu.memory_space<hbm>>
    %dma_wait3A_42 = arith.constant 0 : i32
    %dma_wait3A_43 = tpu.memref_slice %arg8[%dma_wait3A_42] : memref<32768xi32, #tpu.memory_space<vmem>> -> memref<16384xi32, #tpu.memory_space<vmem>>
    %dma_wait3A_44 = tpu.memref_slice %arg4[%add3A_11] : memref<1048576xi32, #tpu.memory_space<hbm>> -> memref<16384xi32, #tpu.memory_space<hbm>>
    tpu.wait_dma2 semaphore(%arg11 : memref<!tpu.dma_semaphore, #tpu.memory_space<semaphore_mem>>) src(%dma_wait3A_44 : memref<16384xi32, #tpu.memory_space<hbm>>) dst(%dma_wait3A_43 : memref<16384xi32, #tpu.memory_space<vmem>>)
    %parallel_loop3A = arith.constant 0 : i32
    %parallel_loop3A_45 = arith.constant 16384 : i32
    %parallel_loop3A_46 = arith.constant 16 : i32
    scf.for %parallel_loop3A_90 = %parallel_loop3A to %parallel_loop3A_45 step %parallel_loop3A_46  : i32 {
      %parallel_loop3A_91 = arith.index_cast %parallel_loop3A_90 : i32 to index
      %parallel_loop3A_92 = tpu.vector_load %arg7[%parallel_loop3A_91] {strides = array<i32>} : memref<32768xi32, #tpu.memory_space<vmem>>, vector<16xi32>,
      %parallel_loop3A_93 = arith.index_cast %parallel_loop3A_90 : i32 to index
      %parallel_loop3A_94 = tpu.vector_load %arg8[%parallel_loop3A_93] {strides = array<i32>} : memref<32768xi32, #tpu.memory_space<vmem>>, vector<16xi32>,
      %parallel_loop3A_95 = arith.constant 3 : i32
      %parallel_loop3A_96 = vector.broadcast %parallel_loop3A_95 : i32 to vector<16xi32>
      %parallel_loop3A_97 = arith.muli %parallel_loop3A_92, %parallel_loop3A_96 : vector<16xi32>
      %parallel_loop3A_98 = arith.addi %parallel_loop3A_97, %parallel_loop3A_94 : vector<16xi32>
      %parallel_loop3A_99 = tpu.vector_load_idx %arg6[%parallel_loop3A_98] : memref<108xf32, #tpu.memory_space<vmem>>[vector<16xi32>], vector<16xf32>,
      %parallel_loop3A_100 = arith.index_cast %parallel_loop3A_90 : i32 to index
      %parallel_loop3A_101 = tpu.vector_load %arg9[%parallel_loop3A_100] {strides = array<i32>} : memref<32768xf32, #tpu.memory_space<vmem>>, vector<16xf32>,
      tpu.vector_store %arg9[%parallel_loop3A_100], %parallel_loop3A_99 {strides = array<i32>} : memref<32768xf32, #tpu.memory_space<vmem>>, vector<16xf32>,
    } {sc.loop_unroll_factor = 16 : i64, sc.parallel_access}
    %add3A_47 = arith.constant 0 : i32
    %add3A_48 = arith.addi %mul3A_2, %add3A_47 : i32
    %dma_start3A_49 = arith.constant 0 : i32
    %dma_start3A_50 = tpu.memref_slice %arg9[%dma_start3A_49] : memref<32768xf32, #tpu.memory_space<vmem>> -> memref<16384xf32, #tpu.memory_space<vmem>>
    %dma_start3A_51 = tpu.memref_slice %arg5[%add3A_48] : memref<1048576xf32, #tpu.memory_space<hbm>> -> memref<16384xf32, #tpu.memory_space<hbm>>
    %dma_start3A_52 = tpu.memref_slice %arg5[%add3A_48] : memref<1048576xf32, #tpu.memory_space<hbm>> -> memref<16384xf32, #tpu.memory_space<hbm>>
    %dma_start3A_53 = arith.constant 0 : i32
    %dma_start3A_54 = tpu.memref_slice %arg9[%dma_start3A_53] : memref<32768xf32, #tpu.memory_space<vmem>> -> memref<16384xf32, #tpu.memory_space<vmem>>
    tpu.enqueue_dma source(%dma_start3A_54 : memref<16384xf32, #tpu.memory_space<vmem>>) target(%dma_start3A_52 : memref<16384xf32, #tpu.memory_space<hbm>>) target_semaphore(%arg10 : memref<!tpu.dma_semaphore, #tpu.memory_space<semaphore_mem>>)
    %dma_wait3A_55 = arith.constant 16384 : i32
    %dma_wait3A_56 = tpu.memref_slice %arg7[%dma_wait3A_55] : memref<32768xi32, #tpu.memory_space<vmem>> -> memref<16384xi32, #tpu.memory_space<vmem>>
    %dma_wait3A_57 = tpu.memref_slice %arg3[%add3A_19] : memref<1048576xi32, #tpu.memory_space<hbm>> -> memref<16384xi32, #tpu.memory_space<hbm>>
    %dma_wait3A_58 = arith.constant 16384 : i32
    %dma_wait3A_59 = tpu.memref_slice %arg7[%dma_wait3A_58] : memref<32768xi32, #tpu.memory_space<vmem>> -> memref<16384xi32, #tpu.memory_space<vmem>>
    %dma_wait3A_60 = tpu.memref_slice %arg3[%add3A_19] : memref<1048576xi32, #tpu.memory_space<hbm>> -> memref<16384xi32, #tpu.memory_space<hbm>>
    tpu.wait_dma2 semaphore(%arg12 : memref<!tpu.dma_semaphore, #tpu.memory_space<semaphore_mem>>) src(%dma_wait3A_60 : memref<16384xi32, #tpu.memory_space<hbm>>) dst(%dma_wait3A_59 : memref<16384xi32, #tpu.memory_space<vmem>>)
    %dma_wait3A_61 = arith.constant 16384 : i32
    %dma_wait3A_62 = tpu.memref_slice %arg8[%dma_wait3A_61] : memref<32768xi32, #tpu.memory_space<vmem>> -> memref<16384xi32, #tpu.memory_space<vmem>>
    %dma_wait3A_63 = tpu.memref_slice %arg4[%add3A_27] : memref<1048576xi32, #tpu.memory_space<hbm>> -> memref<16384xi32, #tpu.memory_space<hbm>>
    %dma_wait3A_64 = arith.constant 16384 : i32
    %dma_wait3A_65 = tpu.memref_slice %arg8[%dma_wait3A_64] : memref<32768xi32, #tpu.memory_space<vmem>> -> memref<16384xi32, #tpu.memory_space<vmem>>
    %dma_wait3A_66 = tpu.memref_slice %arg4[%add3A_27] : memref<1048576xi32, #tpu.memory_space<hbm>> -> memref<16384xi32, #tpu.memory_space<hbm>>
    tpu.wait_dma2 semaphore(%arg12 : memref<!tpu.dma_semaphore, #tpu.memory_space<semaphore_mem>>) src(%dma_wait3A_66 : memref<16384xi32, #tpu.memory_space<hbm>>) dst(%dma_wait3A_65 : memref<16384xi32, #tpu.memory_space<vmem>>)
    %parallel_loop3A_67 = arith.constant 16384 : i32
    %parallel_loop3A_68 = arith.constant 32768 : i32
    %parallel_loop3A_69 = arith.constant 16 : i32
    scf.for %parallel_loop3A_90 = %parallel_loop3A_67 to %parallel_loop3A_68 step %parallel_loop3A_69  : i32 {
      %parallel_loop3A_91 = arith.index_cast %parallel_loop3A_90 : i32 to index
      %parallel_loop3A_92 = tpu.vector_load %arg7[%parallel_loop3A_91] {strides = array<i32>} : memref<32768xi32, #tpu.memory_space<vmem>>, vector<16xi32>,
      %parallel_loop3A_93 = arith.index_cast %parallel_loop3A_90 : i32 to index
      %parallel_loop3A_94 = tpu.vector_load %arg8[%parallel_loop3A_93] {strides = array<i32>} : memref<32768xi32, #tpu.memory_space<vmem>>, vector<16xi32>,
      %parallel_loop3A_95 = arith.constant 3 : i32
      %parallel_loop3A_96 = vector.broadcast %parallel_loop3A_95 : i32 to vector<16xi32>
      %parallel_loop3A_97 = arith.muli %parallel_loop3A_92, %parallel_loop3A_96 : vector<16xi32>
      %parallel_loop3A_98 = arith.addi %parallel_loop3A_97, %parallel_loop3A_94 : vector<16xi32>
      %parallel_loop3A_99 = tpu.vector_load_idx %arg6[%parallel_loop3A_98] : memref<108xf32, #tpu.memory_space<vmem>>[vector<16xi32>], vector<16xf32>,
      %parallel_loop3A_100 = arith.index_cast %parallel_loop3A_90 : i32 to index
      %parallel_loop3A_101 = tpu.vector_load %arg9[%parallel_loop3A_100] {strides = array<i32>} : memref<32768xf32, #tpu.memory_space<vmem>>, vector<16xf32>,
      tpu.vector_store %arg9[%parallel_loop3A_100], %parallel_loop3A_99 {strides = array<i32>} : memref<32768xf32, #tpu.memory_space<vmem>>, vector<16xf32>,
    } {sc.loop_unroll_factor = 16 : i64, sc.parallel_access}
    %add3A_70 = arith.constant 16384 : i32
    %add3A_71 = arith.addi %mul3A_2, %add3A_70 : i32
    %dma_start3A_72 = arith.constant 16384 : i32
    %dma_start3A_73 = tpu.memref_slice %arg9[%dma_start3A_72] : memref<32768xf32, #tpu.memory_space<vmem>> -> memref<16384xf32, #tpu.memory_space<vmem>>
    %dma_start3A_74 = tpu.memref_slice %arg5[%add3A_71] : memref<1048576xf32, #tpu.memory_space<hbm>> -> memref<16384xf32, #tpu.memory_space<hbm>>
    %dma_start3A_75 = tpu.memref_slice %arg5[%add3A_71] : memref<1048576xf32, #tpu.memory_space<hbm>> -> memref<16384xf32, #tpu.memory_space<hbm>>
    %dma_start3A_76 = arith.constant 16384 : i32
    %dma_start3A_77 = tpu.memref_slice %arg9[%dma_start3A_76] : memref<32768xf32, #tpu.memory_space<vmem>> -> memref<16384xf32, #tpu.memory_space<vmem>>
    tpu.enqueue_dma source(%dma_start3A_77 : memref<16384xf32, #tpu.memory_space<vmem>>) target(%dma_start3A_75 : memref<16384xf32, #tpu.memory_space<hbm>>) target_semaphore(%arg10 : memref<!tpu.dma_semaphore, #tpu.memory_space<semaphore_mem>>)
    %dma_wait3A_78 = arith.constant 0 : i32
    %dma_wait3A_79 = tpu.memref_slice %arg9[%dma_wait3A_78] : memref<32768xf32, #tpu.memory_space<vmem>> -> memref<16384xf32, #tpu.memory_space<vmem>>
    %dma_wait3A_80 = tpu.memref_slice %arg5[%add3A_48] : memref<1048576xf32, #tpu.memory_space<hbm>> -> memref<16384xf32, #tpu.memory_space<hbm>>
    %dma_wait3A_81 = tpu.memref_slice %arg5[%add3A_48] : memref<1048576xf32, #tpu.memory_space<hbm>> -> memref<16384xf32, #tpu.memory_space<hbm>>
    %dma_wait3A_82 = arith.constant 0 : i32
    %dma_wait3A_83 = tpu.memref_slice %arg9[%dma_wait3A_82] : memref<32768xf32, #tpu.memory_space<vmem>> -> memref<16384xf32, #tpu.memory_space<vmem>>
    tpu.wait_dma2 semaphore(%arg10 : memref<!tpu.dma_semaphore, #tpu.memory_space<semaphore_mem>>) src(%dma_wait3A_83 : memref<16384xf32, #tpu.memory_space<vmem>>) dst(%dma_wait3A_81 : memref<16384xf32, #tpu.memory_space<hbm>>)
    %dma_wait3A_84 = arith.constant 16384 : i32
    %dma_wait3A_85 = tpu.memref_slice %arg9[%dma_wait3A_84] : memref<32768xf32, #tpu.memory_space<vmem>> -> memref<16384xf32, #tpu.memory_space<vmem>>
    %dma_wait3A_86 = tpu.memref_slice %arg5[%add3A_71] : memref<1048576xf32, #tpu.memory_space<hbm>> -> memref<16384xf32, #tpu.memory_space<hbm>>
    %dma_wait3A_87 = tpu.memref_slice %arg5[%add3A_71] : memref<1048576xf32, #tpu.memory_space<hbm>> -> memref<16384xf32, #tpu.memory_space<hbm>>
    %dma_wait3A_88 = arith.constant 16384 : i32
    %dma_wait3A_89 = tpu.memref_slice %arg9[%dma_wait3A_88] : memref<32768xf32, #tpu.memory_space<vmem>> -> memref<16384xf32, #tpu.memory_space<vmem>>
    tpu.wait_dma2 semaphore(%arg10 : memref<!tpu.dma_semaphore, #tpu.memory_space<semaphore_mem>>) src(%dma_wait3A_89 : memref<16384xf32, #tpu.memory_space<vmem>>) dst(%dma_wait3A_87 : memref<16384xf32, #tpu.memory_space<hbm>>)
    return
  }
}

</mosaic_0001>

<sc_bundles>
// kernel: kernel.3.cloned.1.call-start
scs
__scs_entry_jumppad:
0x0: {  	(pc) =	sbr.rel $0x88, $3  }
0x1: {  	(tag) =	ssettag $0x0;
	lr =	simm.s32 $0x1  }
0x2: {  	[smem:$0x3F9E] =	sst lr;
	_ =	strace $0xD0000000  }
0x3: {  	_ = 	snop  }
0x4: {  	_ = 	snop  }
0x5: {  	_ = 	snop  }
0x6: {  	_ = 	snop  }
0x7: {  	_ = 	snop  }
__scs_overlays_trampoline_lowered:
0x8: {  	[smem:$0x3FAD] =	sst s0  }
0x9: {  	[smem:$0x3FAE] =	sst s1  }
0xa: {  	[smem:$0x3FAF] =	sst s2  }
0xb: {  	[smem:$0x3FB0] =	sst s3  }
0xc: {  	[smem:$0x3FB1] =	sst s4  }
0xd: {  	[smem:$0x3FB2] =	sst s5  }
0xe: {  	[smem:$0x3FB3] =	sst s6  }
0xf: {  	[smem:$0x3FB4] =	sst s7  }
0x10: {  	[smem:$0x3FB5] =	sst s8  }
0x11: {  	[smem:$0x3FB6] =	sst s9;
	s0 =	simm.s32 @!p0 $0x0  }
0x12: {  	s1 =	sld [smem:$0x3F9C];
	s0 =	simm.s32 @p0 $0x1  }
0x13: {  	[smem:$0x3FB7] =	sst s0;
	s0 =	simm.s32 @!p1 $0x0  }
0x14: {  	s2 =	sld [smem:$0x3F9B];
	s0 =	simm.s32 @p1 $0x1  }
0x15: {  	[smem:$0x3FB8] =	sst s0;
	s0 =	simm.s32 @!p2 $0x0  }
0x16: {  	s3 =	sld [smem:$0x3FDB];
	s0 =	simm.s32 @p2 $0x1  }
0x17: {  	s4 =	simm.s32 $0x1BF5;
	[smem:$0x3FBA] =	sst s0  }
0x18: {  	s0 =	sld [smem:$0x3F9D];
	_ =	swait.ge [sflag:s4], $0x0  }
0x19: {  	s7 =	sld [smem:$0x3F9E]  }
0x1a: {  	s8 =	sadd.s32 $0xFFFFE003, lr  }
0x1b: {  	s9 =	sadd.s32 $0xFFFFFEF7, lr;
	s5 =	simm.s32 $0xFFFFFFFF;
	p2 =	slt.u32 s8, $0xFFFFF086  }
0x1c: {  	p1 =	slt.u32 s9, $0xF7A;
	s5 =	simm.s32 @!p2 $0x0  }
0x1d: {  	s5 =	simm.s32 @p1 $0x1;
	p0 =	seq.s32 s7, s2  }
0x1e: {  	s7 =	smul.u32 @!p0 $0xF7A, s2;
	p2 =	seq.s32 @!p0 s5, $0x0  }
0x1f: {  	s9 =	smul.u32 $0xF7A, s1;
	s8 =	simm.s32 @!p0 $0x1BF5;
	p2 =	por !p2, p0  }
0x20: {  	[sflag:s8] =	ssyncset.s32 @!p0 $0xFFFFF086;
	s6 =	sadd.s32 @!p0 s3, s7;
	s7 =	simm.s32 @!p0 $0x108  }
0x21: {  	s3 =	sadd.s32 s3, s9;
	s6 =	sadd.s32 @!p0 $0x88, s6;
	s7 =	simm.s32 @p2 $0x1082  }
0x22: {  	[simem:s7], [sflag:s8] =	dma.local @!p0 [hbm:s6], $0xF7A  }
0x23: {  	s9 =	sor.u32 $0xD0000000, s2;
	s6 =	simm.s32 $0x108;
	_ =	swait.ge @!p0 [sflag:s8], $0x0  }
0x24: {  	s3 =	sadd.s32 $0x88, s3;
	s6 =	simm.s32 @!p1 $0x1082;
	[sflag:s4] =	ssyncset.s32 $0xFFFFF086  }
0x25: {  	[simem:s6], [sflag:s4] =	dma.local [hbm:s3], $0xF7A  }
0x26: {  	[smem:$0x3F9E] =	sst s1;
	(tag) =	ssettag s2;
	_ =	strace s9  }
0x27: {  	s1 =	sld [smem:$0x3FAE]  }
0x28: {  	s2 =	sld [smem:$0x3FAF]  }
0x29: {  	s4 =	sld [smem:$0x3FB1]  }
0x2a: {  	p0 =	seq.s32 s5, $0x0;
	s5 =	sld [smem:$0x3FB2]  }
0x2b: {  	s6 =	sld [smem:$0x3FB3]  }
0x2c: {  	s7 =	sld [smem:$0x3FB4]  }
0x2d: {  	s3 =	simm.s32 $0x108;
	s8 =	sld [smem:$0x3FB5]  }
0x2e: {  	s3 =	simm.s32 @!p0 $0x1082;
	s9 =	sld [smem:$0x3FB6]  }
0x2f: {  	lr =	sadd.s32 s0, s3;
	s0 =	sld [smem:$0x3FAD]  }
0x30: {  	s3 =	sld [smem:$0x3FB0]  }
0x31: {  	[smem:$0x3FB9] =	sst s10  }
0x32: {  	s10 =	sld [smem:$0x3FB7];
	_ =	sdelay $0x3  }
0x33: {  	p0 =	seq.s32 s10, $0x1;
	s10 =	sld [smem:$0x3FB9];
	_ =	sdelay $0x3  }
0x34: {  	[smem:$0x3FB9] =	sst s10  }
0x35: {  	s10 =	sld [smem:$0x3FB8];
	_ =	sdelay $0x3  }
0x36: {  	p1 =	seq.s32 s10, $0x1;
	s10 =	sld [smem:$0x3FB9];
	_ =	sdelay $0x3  }
0x37: {  	[smem:$0x3FB9] =	sst s10  }
0x38: {  	s10 =	sld [smem:$0x3FBA]  }
0x39: {  	_ = 	snop;
	(pc) =	sbr.ind lr, $3  }
0x3a: {  	_ = 	snop  }
0x3b: {  	_ = 	snop  }
0x3c: {  	p2 =	seq.s32 s10, $0x1;
	s10 =	sld [smem:$0x3FB9]  }
0x3d: {  	_ =	shalt  }
0x3e: {  	_ =	shalt  }
0x3f: {  	_ =	shalt  }
0x40: {  	_ =	shalt  }
0x41: {  	_ =	shalt  }
0x42: {  	_ =	shalt  }
0x43: {  	_ =	shalt  }
0x44: {  	_ =	shalt  }
0x45: {  	_ =	shalt  }
0x46: {  	_ =	shalt  }
0x47: {  	_ =	shalt  }
0x48: {  	_ =	shalt  }
0x49: {  	_ =	shalt  }
0x4a: {  	_ =	shalt  }
0x4b: {  	_ =	shalt  }
0x4c: {  	_ =	shalt  }
0x4d: {  	_ =	shalt  }
0x4e: {  	_ =	shalt  }
0x4f: {  	_ =	shalt  }
0x50: {  	_ =	shalt  }
0x51: {  	_ =	shalt  }
0x52: {  	_ =	shalt  }
0x53: {  	_ =	shalt  }
0x54: {  	_ =	shalt  }
0x55: {  	_ =	shalt  }
0x56: {  	_ =	shalt  }
0x57: {  	_ =	shalt  }
0x58: {  	_ =	shalt  }
0x59: {  	_ =	shalt  }
0x5a: {  	_ =	shalt  }
0x5b: {  	_ =	shalt  }
0x5c: {  	_ =	shalt  }
0x5d: {  	_ =	shalt  }
0x5e: {  	_ =	shalt  }
0x5f: {  	_ =	shalt  }
0x60: {  	_ =	shalt  }
0x61: {  	_ =	shalt  }
0x62: {  	_ =	shalt  }
0x63: {  	_ =	shalt  }
0x64: {  	_ =	shalt  }
0x65: {  	_ =	shalt  }
0x66: {  	_ =	shalt  }
0x67: {  	_ =	shalt  }
0x68: {  	_ =	shalt  }
0x69: {  	_ =	shalt  }
0x6a: {  	_ =	shalt  }
0x6b: {  	_ =	shalt  }
0x6c: {  	_ =	shalt  }
0x6d: {  	_ =	shalt  }
0x6e: {  	_ =	shalt  }
0x6f: {  	_ =	shalt  }
0x70: {  	_ =	shalt  }
0x71: {  	_ =	shalt  }
0x72: {  	_ =	shalt  }
0x73: {  	_ =	shalt  }
0x74: {  	_ =	shalt  }
0x75: {  	_ =	shalt  }
0x76: {  	_ =	shalt  }
0x77: {  	_ =	shalt  }
0x78: {  	_ =	shalt  }
0x79: {  	_ =	shalt  }
0x7a: {  	_ =	shalt  }
0x7b: {  	_ =	shalt  }
0x7c: {  	_ =	shalt  }
0x7d: {  	_ =	shalt  }
0x7e: {  	_ =	shalt  }
0x7f: {  	_ =	shalt  }
0x80: {  	_ =	shalt  }
0x81: {  	_ =	shalt  }
0x82: {  	_ =	shalt  }
0x83: {  	_ =	shalt  }
0x84: {  	_ =	shalt  }
0x85: {  	_ =	shalt  }
0x86: {  	_ =	shalt  }
0x87: {  	_ =	shalt  }
.Lfunc_end0:
.L_simem_size_0:
called_computation_lowered:
.L_overlay_start_0:
0x88: {  	s2 =	sld [smem:$0x3FD9]  }
0x89: {  	s3 =	sld [smem:$0x3FFE];
	_ =	sdelay $0x1  }
0x8a: {  	s1 =	srdreg.scid  }
0x8b: {  	s0 =	sand.u32 $0x1, s1  }
0x8c: {  	s17 =	sshll.u32 s0, $0xA;
	s2 =	sadd.s32 s3, s2  }
0x8d: {  	s2 =	sadd.s32 s2, s17  }
0x8e: {  	[smem:$0x3FC5] =	sst s2  }
0x8f: {  	_ = 	snop  }
0x90: {  	s2 =	sld [smem:$0x3FC9]  }
0x91: {  	s18 =	sld [smem:$0x3FC8]  }
0x92: {  	s4 =	sld [smem:$0x3FD0];
	(tm) =	ssettm $0x1  }
0x93: {  	s5 =	sld [smem:$0x3FFB];
	_ =	sdelay $0x3  }
0x94: {  	_ =	strace s5  }
0x95: {  	s5 =	sld [smem:$0x3FFC];
	_ =	sdelay $0x3  }
0x96: {  	_ =	strace s5  }
0x97: {  	s5 =	sld [smem:$0x3FFD];
	_ =	sdelay $0x3  }
0x98: {  	_ =	strace s5  }
0x99: {  	_ =	strace $0x8FFFFFFF  }
0x9a: {  	s19 =	sld [smem:$0x3FDB];
	_ =	sdelay $0x1  }
0x9b: {  	s6 =	simm.s32 $_scs_section_size  }
0x9c: {  	s7 =	simm.s32 $_size__tile_overlayer_lowered;
	s8 =	simm.s32 $_tile_overlayer_lowered  }
0x9d: {  	s22 =	simm.s32 $0x1BFF;
	s21 =	sshll.u32 s8, $0x1;
	s5 =	sadd.s32 s6, s19  }
0x9e: {  	s9 =	simm.s32 $0x0;
	s20 =	sshll.u32 s7, $0x1;
	s7 =	sadd.s32 s21, s5  }
0x9f: {  	[timem:s9], [sflag:s22] =	dma.local [hbm:s7], s20  }
0xa0: {  	_ =	swait.ge [sflag:s22], s20  }
0xa1: {  	s6 =	ssub.s32 $0x0, s20;
	[sflag:s22] =	ssyncset.done $0x0  }
0xa2: {  	[sflag:s22] =	ssyncadd.s32 s6;
	_ =	sdelay $0x1  }
0xa3: {  	s23 =	simm.s32 $0x1B8B  }
0xa4: {  	_ =	swait.ge [sflag:s23], $0x1  }
0xa5: {  	[sflag:s23] =	ssyncset.done $0x0  }
0xa6: {  	s25 =	simm.s32 $0x1B8E;
	s24 =	sld [smem:$0x3FFE];
	[sflag:s23] =	ssyncadd.s32 $0xFFFFFFFF  }
0xa7: {  	s26 =	simm.s32 $execute0_lowered;
	[smem:$0x3FD2] =	sst s25  }
0xa8: {  	s7 =	sshll.u32 s26, $0x1;
	_ =	strace $0x80000046;
	[dreg:$0x1] =	wrdreg $0xFFFFFFFF  }
0xa9: {  	s28 =	simm.s32 $_size_execute0_lowered;
	s5 =	sadd.s32 s5, s7;
	[dreg:$0x0] =	wrdreg $0x0  }
0xaa: {  	s7 =	sshll.u32 s28, $0x1;
	[dreg:$0x2] =	wrdreg s5  }
0xab: {  	[dreg:$0x3] =	wrdreg s7  }
0xac: {  	[dreg:$0x4] =	wrdreg $0xC0  }
0xad: {  	_ =	task [dreg:s9], $0x5FFFF  }
0xae: {  	[dreg:$0x1] =	wrdreg $0xFFFFFFFF  }
0xaf: {  	[dreg:$0x0] =	wrdreg $0x60  }
0xb0: {  	[dreg:$0x2] =	wrdreg s24  }
0xb1: {  	[dreg:$0x3] =	wrdreg s2  }
0xb2: {  	[dreg:$0x4] =	wrdreg s18  }
0xb3: {  	[dreg:$0x5] =	wrdreg s4  }
0xb4: {  	[dreg:$0x6] =	wrdreg $0x9  }
0xb5: {  	_ =	task.clear_ibuf [dreg:s9], $0x7FFFF;
	_ =	strace $0x90000046  }
0xb6: {  	s29 =	simm.s32 $0x9;
	_ =	strace $0x80000048  }
0xb7: {  	_ =	swait.ge [sflag:s29], $0x1  }
0xb8: {  	[sflag:s29] =	ssyncadd.s32 $0xFFFFFFFF  }
0xb9: {  	_ =	strace $0x90000048  }
0xba: {  	_ =	sfence  }
0xbb: {  	s30 =	sld [smem:$0x0];
	_ =	sdelay $0x2  }
0xbc: {  	s31 =	sshll.u32 s1, $0xD;
	s1 =	sshrl.u32 s1, $0x2  }
0xbd: {  	s3 =	sand.u32 $0x4000, s31;
	s1 =	sadd.s32 s1, s30  }
0xbe: {  	s0 =	sor.u32 s3, s0;
	s1 =	sshll.u32 s1, $0x11  }
0xbf: {  	s0 =	sor.u32 s1, s0  }
0xc0: {  	s0 =	sadd.s32 $0x8F2B, s0  }
0xc1: {  	[sflag:s0] =	ssyncadd.remote.s32 $0x1  }
0xc2: {  	_ =	sfence.sel $0xFFFF  }
0xc3: {  	[dreg:$0x0] =	wrdreg $0xFFFFFFFF;
	(pc) =	sbr.abs _section_cstart, $3  }
0xc4: {  	[dreg:$0x1] =	wrdreg $0xFFFFFFFF  }
0xc5: {  	_ =	task.clear_ibuf [dreg:s9], $0x2FFFF;
	_ =	strace $0x9FFFFFFF  }
0xc6: {  	(tm) =	ssettm $0x7FFFFFFF  }
0xc7: {  	_ =	shalt  }
tec
execute0_lowered:
.L_overlay_start_1:
0x0: {  	(tag) =	ssettag $0x1  }
0x1: {  	s3 =	rddreg [dreg:$0x0]  }
0x2: {  	s6 =	rddreg [dreg:$0x1]  }
0x3: {  	s7 =	rddreg [dreg:$0x2]  }
0x4: {  	s9 =	rddreg [dreg:$0x3]  }
0x5: {  	s0 =	rddreg [dreg:$0x4];
	s2 =	simm.s32 $0x0;
	s4 =	srdreg.scid  }
0x6: {  	s1 =	stileid.u32;
	s12 =	simm.s32 $0x8080;
	s13 =	simm.s32 $0x4080  }
0x7: {  	s14 =	simm.s32 $0xC080;
	s15 =	simm.s32 $0x4;
	s16 =	simm.s32 $0x2  }
0x8: {  	s17 =	simm.s32 $0x10080;
	s18 =	simm.s32 $0x3;
	s19 =	simm.s32 $0x14080  }
0x9: {  	s20 =	simm.s32 $0x1;
	s21 =	simm.s32 $0x0;
	s4 =	sand.u32 $0x1, s4  }
0xa: {  	[smem:$0x7FF] =	sst s2;
	s8 =	sshll.u32 s1, $0xD;
	s5 =	ssub.s32 $0x2, s4  }
0xb: {  	s3 =	sadd.s32 $0x400, s3;
	s4 =	sshll.u32 s4, $0xC;
	s10 =	sshrl.u32 s5, $0x1  }
0xc: {  	_ =	strace $0x80000047;
	s8 =	sor.u32 s4, s8;
	s10 =	ssub.s32 s5, s10  }
0xd: {  	s11 =	sor.u32 $0x800, s8;
	s4 =	sadd.s32 s6, s8;
	s5 =	sadd.s32 s7, s8  }
0xe: {  	s8 =	sadd.s32 s9, s8;
	s6 =	sadd.s32 s6, s11;
	s7 =	sadd.s32 s7, s11  }
0xf: {  	s9 =	sadd.s32 s9, s11;
	s10 =	smax.u32 s10, $0x1;
	s11 =	simm.s32 $0x80  }
.LBB2_1:
0x10: {  	[tilespmem:s11], [sflag:$0x2] =	stream.linear.gather [hbm4b:s4+s2], $0x4000, $0x38;
	[tilespmem:$0x18080] =	vst v63  }
0x11: {  	_ = 	snop  }
0x12: {  	[tilespmem:s12], [sflag:$0x2] =	stream.linear.gather [hbm4b:s5+s2], $0x4000, $0x38;
	[tilespmem:$0x18080] =	vst v63  }
0x13: {  	_ = 	snop  }
0x14: {  	[tilespmem:s13], [sflag:$0x3] =	stream.linear.gather [hbm4b:s6+s2], $0x4000, $0x38;
	[tilespmem:$0x18080] =	vst v63  }
0x15: {  	_ = 	snop  }
0x16: {  	[tilespmem:s14], [sflag:$0x3] =	stream.linear.gather [hbm4b:s7+s2], $0x4000, $0x38;
	[tilespmem:$0x18080] =	vst v63  }
0x17: {  	_ = 	snop  }
0x18: {  	[tilespmem:s2], [sflag:$0x4] =	stream.linear.gather [hbm4b:s3+s2], $0x80, $0x38;
	[tilespmem:$0x18080] =	vst v63  }
0x19: {  	_ =	swait.ge [sflag:s15], $0x80  }
0x1a: {  	[sflag:s15] =	ssyncset.done $0x0  }
0x1b: {  	[sflag:s15] =	ssyncadd.s32 $0xFFFFFF80  }
0x1c: {  	_ =	swait.ge [sflag:s16], $0x4000  }
0x1d: {  	[sflag:s16] =	ssyncset.done $0x0  }
0x1e: {  	[sflag:s16] =	ssyncadd.s32 $0xFFFFC000  }
0x1f: {  	_ =	swait.ge [sflag:s16], $0x4000  }
0x20: {  	[sflag:s16] =	ssyncset.done $0x0  }
0x21: {  	s23 =	simm.s32 $0x100;
	[sflag:s16] =	ssyncadd.s32 $0xFFFFC000  }
0x22: {  	v0 =	vld [tilespmem:s23+$0x70]  }
0x23: {  	s22 =	simm.s32 $0x8100;
	v1 =	vld [tilespmem:s23+$0xFFFFFF90]  }
0x24: {  	v2 =	vld [tilespmem:s22+$0x70]  }
0x25: {  	v3 =	vld [tilespmem:s23+$0xFFFFFFA0]  }
0x26: {  	v4 =	vld [tilespmem:s23+$0xFFFFFFB0]  }
0x27: {  	v5 =	vld [tilespmem:s23+$0xFFFFFFC0]  }
0x28: {  	v6 =	vld [tilespmem:s23+$0xFFFFFFD0]  }
0x29: {  	v7 =	vld [tilespmem:s23+$0xFFFFFFE0]  }
0x2a: {  	v8 =	vld [tilespmem:s23+$0x0]  }
0x2b: {  	v9 =	vld [tilespmem:s23+$0x10]  }
0x2c: {  	v10 =	vld [tilespmem:s23+$0x20]  }
0x2d: {  	v11 =	vld [tilespmem:s23+$0x30]  }
0x2e: {  	v12 =	vld [tilespmem:s23+$0x40]  }
0x2f: {  	v13 =	vld [tilespmem:s23+$0x50]  }
0x30: {  	v14 =	vld [tilespmem:s23+$0x60]  }
0x31: {  	v15 =	vld [tilespmem:s23+$0xFFFFFF80]  }
0x32: {  	v16 =	vld [tilespmem:s22+$0xFFFFFF80]  }
0x33: {  	v17 =	vld [tilespmem:s22+$0xFFFFFF90]  }
0x34: {  	v18 =	vld [tilespmem:s22+$0xFFFFFFA0]  }
0x35: {  	v19 =	vld [tilespmem:s22+$0xFFFFFFB0]  }
0x36: {  	v20 =	vld [tilespmem:s22+$0xFFFFFFC0]  }
0x37: {  	v21 =	vld [tilespmem:s22+$0xFFFFFFD0]  }
0x38: {  	v22 =	vld [tilespmem:s22+$0xFFFFFFE0]  }
0x39: {  	v23 =	vld [tilespmem:s22+$0xFFFFFFF0]  }
0x3a: {  	v24 =	vld [tilespmem:s22+$0x0]  }
0x3b: {  	v25 =	vld [tilespmem:s22+$0x10];
	v0 =	vmul.u32 $0x3, v0  }
0x3c: {  	v55 =	vld [tilespmem:s22+$0x20];
	v15 =	vmul.u32 $0x3, v15  }
0x3d: {  	v56 =	vld [tilespmem:s22+$0x30];
	v1 =	vmul.u32 $0x3, v1;
	v0 =	vadd.s32 v2, v0  }
0x3e: {  	v57 =	vld [tilespmem:s22+$0x40];
	v3 =	vmul.u32 $0x3, v3;
	v15 =	vadd.s32 v16, v15  }
0x3f: {  	v58 =	vld [tilespmem:s22+$0x50];
	v4 =	vmul.u32 $0x3, v4;
	v1 =	vadd.s32 v17, v1  }
0x40: {  	v5 =	vmul.u32 $0x3, v5;
	v2 =	vld [tilespmem:s23+$0xFFFFFFF0];
	v3 =	vadd.s32 v18, v3  }
0x41: {  	v59 =	vld [tilespmem:s22+$0x60];
	v6 =	vmul.u32 $0x3, v6;
	v4 =	vadd.s32 v19, v4  }
0x42: {  	v7 =	vmul.u32 $0x3, v7;
	v5 =	vadd.s32 v20, v5;
	v0 =	vld.idx.msk [tilespmem:v0+s2+$0x0], $0xffff  }
0x43: {  	v8 =	vmul.u32 $0x3, v8;
	v6 =	vadd.s32 v21, v6;
	v15 =	vld.idx.msk [tilespmem:v15+s2+$0x0], $0xffff  }
0x44: {  	v10 =	vmul.u32 $0x3, v10;
	v7 =	vadd.s32 v22, v7;
	v1 =	vld.idx.msk [tilespmem:v1+s2+$0x0], $0xffff  }
0x45: {  	v8 =	vadd.s32 v24, v8;
	v2 =	vmul.u32 $0x3, v2;
	v3 =	vld.idx.msk [tilespmem:v3+s2+$0x0], $0xffff  }
0x46: {  	v9 =	vmul.u32 $0x3, v9;
	v10 =	vadd.s32 v55, v10;
	v4 =	vld.idx.msk [tilespmem:v4+s2+$0x0], $0xffff  }
0x47: {  	v61 =	vmul.u32 $0x3, v14;
	s23 =	simm.s32 $0x10100;
	v5 =	vld.idx.msk [tilespmem:v5+s2+$0x0], $0xffff;
	v2 =	vadd.s32 v23, v2  }
0x48: {  	v11 =	vmul.u32 $0x3, v11;
	v9 =	vadd.s32 v25, v9;
	v6 =	vld.idx.msk [tilespmem:v6+s2+$0x0], $0xffff;
	[tilespmem:s23+$0x70] =	vst v0  }
0x49: {  	v60 =	vmul.u32 $0x3, v13;
	v13 =	vadd.s32 v59, v61;
	v7 =	vld.idx.msk [tilespmem:v7+s2+$0x0], $0xffff;
	v0 =	vmul.u32 $0x3, v12;
	[tilespmem:s23+$0xFFFFFF80] =	vst v15  }
0x4a: {  	v11 =	vadd.s32 v56, v11;
	v8 =	vld.idx.msk [tilespmem:v8+s2+$0x0], $0xffff;
	[tilespmem:s23+$0xFFFFFF90] =	vst v1  }
0x4b: {  	[tilespmem:s23+$0xFFFFFFA0] =	vst v3;
	v1 =	vld.idx.msk [tilespmem:v10+s2+$0x0], $0xffff;
	v62 =	vadd.s32 v57, v0  }
0x4c: {  	v12 =	vadd.s32 v58, v60;
	[tilespmem:s23+$0xFFFFFFB0] =	vst v4;
	v63 =	vld.idx.msk [tilespmem:v2+s2+$0x0], $0xffff  }
0x4d: {  	[tilespmem:s23+$0xFFFFFFC0] =	vst v5;
	v0 =	vld.idx.msk [tilespmem:v9+s2+$0x0], $0xffff  }
0x4e: {  	[tilespmem:s23+$0xFFFFFFD0] =	vst v6;
	v5 =	vld.idx.msk [tilespmem:v13+s2+$0x0], $0xffff  }
0x4f: {  	[tilespmem:s23+$0xFFFFFFE0] =	vst v7;
	v2 =	vld.idx.msk [tilespmem:v11+s2+$0x0], $0xffff  }
0x50: {  	[tilespmem:s23+$0x0] =	vst v8;
	v3 =	vld.idx.msk [tilespmem:v62+s2+$0x0], $0xffff  }
0x51: {  	s24 =	simm.s32 $0x0;
	s25 =	simm.s32 $0x200;
	v4 =	vld.idx.msk [tilespmem:v12+s2+$0x0], $0xffff;
	[tilespmem:s23+$0xFFFFFFF0] =	vst v63  }
.LBB2_2:
0x52: {  	v6 =	vld [tilespmem:s25+$0x70];
	s24 =	sadd.s32 $0x100, s24;
	[tilespmem:s23+$0x10] =	vst v0  }
0x53: {  	s22 =	sadd.s32 $0x100, s22;
	v0 =	vld [tilespmem:s25+$0xFFFFFF90];
	p0 =	slt.u32 s24, $0x3F00;
	[tilespmem:s23+$0x20] =	vst v1  }
0x54: {  	v1 =	vld [tilespmem:s22+$0x70];
	[tilespmem:s23+$0x30] =	vst v2  }
0x55: {  	v2 =	vld [tilespmem:s25+$0xFFFFFFA0];
	[tilespmem:s23+$0x40] =	vst v3  }
0x56: {  	v3 =	vld [tilespmem:s25+$0xFFFFFFB0];
	[tilespmem:s23+$0x50] =	vst v4  }
0x57: {  	v4 =	vld [tilespmem:s25+$0xFFFFFFC0];
	v6 =	vmul.u32 $0x3, v6;
	[tilespmem:s23+$0x60] =	vst v5  }
0x58: {  	v0 =	vmul.u32 $0x3, v0;
	v5 =	vld [tilespmem:s25+$0xFFFFFFD0]  }
0x59: {  	v7 =	vld [tilespmem:s25+$0xFFFFFFE0];
	v1 =	vadd.s32 v1, v6  }
0x5a: {  	v2 =	vmul.u32 $0x3, v2;
	v6 =	vld [tilespmem:s25+$0xFFFFFFF0]  }
0x5b: {  	v3 =	vmul.u32 $0x3, v3;
	v8 =	vld [tilespmem:s25+$0x0]  }
0x5c: {  	v4 =	vmul.u32 $0x3, v4;
	v9 =	vld [tilespmem:s25+$0x10]  }
0x5d: {  	v5 =	vmul.u32 $0x3, v5;
	v10 =	vld [tilespmem:s25+$0x20]  }
0x5e: {  	v7 =	vmul.u32 $0x3, v7;
	v1 =	vld.idx.msk [tilespmem:v1+s2+$0x0], $0xffff  }
0x5f: {  	v6 =	vmul.u32 $0x3, v6;
	v11 =	vld [tilespmem:s25+$0x30]  }
0x60: {  	v8 =	vmul.u32 $0x3, v8;
	v12 =	vld [tilespmem:s25+$0x40]  }
0x61: {  	v9 =	vmul.u32 $0x3, v9;
	v13 =	vld [tilespmem:s25+$0x50]  }
0x62: {  	v10 =	vmul.u32 $0x3, v10;
	v14 =	vld [tilespmem:s25+$0x60]  }
0x63: {  	s23 =	sadd.s32 $0x100, s23;
	v15 =	vld [tilespmem:s25+$0xFFFFFF80]  }
0x64: {  	v16 =	vld [tilespmem:s22+$0xFFFFFF80];
	v11 =	vmul.u32 $0x3, v11;
	[tilespmem:s23+$0x70] =	vst v1  }
0x65: {  	v1 =	vld [tilespmem:s22+$0xFFFFFF90];
	v12 =	vmul.u32 $0x3, v12  }
0x66: {  	v17 =	vld [tilespmem:s22+$0xFFFFFFA0];
	v13 =	vmul.u32 $0x3, v13  }
0x67: {  	v18 =	vld [tilespmem:s22+$0xFFFFFFB0];
	v14 =	vmul.u32 $0x3, v14  }
0x68: {  	v15 =	vmul.u32 $0x3, v15;
	v19 =	vld [tilespmem:s22+$0xFFFFFFC0]  }
0x69: {  	v20 =	vld [tilespmem:s22+$0xFFFFFFD0]  }
0x6a: {  	v15 =	vadd.s32 v16, v15;
	v0 =	vadd.s32 v1, v0;
	v1 =	vld [tilespmem:s22+$0xFFFFFFE0]  }
0x6b: {  	v2 =	vadd.s32 v17, v2;
	v16 =	vld [tilespmem:s22+$0xFFFFFFF0]  }
0x6c: {  	v3 =	vadd.s32 v18, v3;
	v17 =	vld [tilespmem:s22+$0x0]  }
0x6d: {  	v4 =	vadd.s32 v19, v4;
	v18 =	vld [tilespmem:s22+$0x10]  }
0x6e: {  	v5 =	vadd.s32 v20, v5;
	v19 =	vld [tilespmem:s22+$0x20]  }
0x6f: {  	v1 =	vadd.s32 v1, v7;
	v7 =	vld [tilespmem:s22+$0x30]  }
0x70: {  	v6 =	vadd.s32 v16, v6;
	v16 =	vld [tilespmem:s22+$0x40]  }
0x71: {  	v8 =	vadd.s32 v17, v8;
	v17 =	vld [tilespmem:s22+$0x50]  }
0x72: {  	v9 =	vadd.s32 v18, v9;
	v18 =	vld [tilespmem:s22+$0x60]  }
0x73: {  	v15 =	vld.idx.msk [tilespmem:v15+s2+$0x0], $0xffff;
	v10 =	vadd.s32 v19, v10  }
0x74: {  	v0 =	vld.idx.msk [tilespmem:v0+s2+$0x0], $0xffff;
	v7 =	vadd.s32 v7, v11  }
0x75: {  	v2 =	vld.idx.msk [tilespmem:v2+s2+$0x0], $0xffff;
	v11 =	vadd.s32 v16, v12  }
0x76: {  	v3 =	vld.idx.msk [tilespmem:v3+s2+$0x0], $0xffff;
	v12 =	vadd.s32 v17, v13  }
0x77: {  	v4 =	vld.idx.msk [tilespmem:v4+s2+$0x0], $0xffff;
	v13 =	vadd.s32 v18, v14  }
0x78: {  	v5 =	vld.idx.msk [tilespmem:v5+s2+$0x0], $0xffff  }
0x79: {  	[tilespmem:s23+$0xFFFFFF80] =	vst v15;
	v14 =	vld.idx.msk [tilespmem:v1+s2+$0x0], $0xffff  }
0x7a: {  	[tilespmem:s23+$0xFFFFFF90] =	vst v0;
	v6 =	vld.idx.msk [tilespmem:v6+s2+$0x0], $0xffff  }
0x7b: {  	[tilespmem:s23+$0xFFFFFFA0] =	vst v2;
	v8 =	vld.idx.msk [tilespmem:v8+s2+$0x0], $0xffff  }
0x7c: {  	[tilespmem:s23+$0xFFFFFFB0] =	vst v3;
	v0 =	vld.idx.msk [tilespmem:v9+s2+$0x0], $0xffff  }
.Ltmp0:
0x7d: {  	[tilespmem:s23+$0xFFFFFFC0] =	vst v4;
	v1 =	vld.idx.msk [tilespmem:v10+s2+$0x0], $0xffff;
	(pc) =	sbr.rel @p0 .LBB2_2-.Ltmp0, $4  }
0x7e: {  	[tilespmem:s23+$0xFFFFFFD0] =	vst v5;
	v2 =	vld.idx.msk [tilespmem:v7+s2+$0x0], $0xffff  }
0x7f: {  	[tilespmem:s23+$0xFFFFFFE0] =	vst v14;
	v3 =	vld.idx.msk [tilespmem:v11+s2+$0x0], $0xffff  }
0x80: {  	[tilespmem:s23+$0xFFFFFFF0] =	vst v6;
	v4 =	vld.idx.msk [tilespmem:v12+s2+$0x0], $0xffff  }
0x81: {  	s25 =	sadd.s32 $0x100, s25;
	[tilespmem:s23+$0x0] =	vst v8;
	v5 =	vld.idx.msk [tilespmem:v13+s2+$0x0], $0xffff  }
0x82: {  	[tilespmem:s23+$0x10] =	vst v0  }
0x83: {  	[tilespmem:s23+$0x20] =	vst v1  }
0x84: {  	[tilespmem:s23+$0x30] =	vst v2  }
0x85: {  	[tilespmem:s23+$0x40] =	vst v3  }
0x86: {  	[tilespmem:s23+$0x50] =	vst v4  }
0x87: {  	s22 =	simm.s32 $0x0;
	[tilespmem:s23+$0x60] =	vst v5  }
0x88: {  	[hbm4b:s8+s22] =	stream.linear.scatter [tilespmem:s17], [sflag:$0x1], $0x4000, $0x38;
	[tilespmem:$0x18080] =	vst v63  }
0x89: {  	_ =	swait.ge [sflag:s18], $0x4000  }
0x8a: {  	[sflag:s18] =	ssyncset.done $0x0  }
0x8b: {  	[sflag:s18] =	ssyncadd.s32 $0xFFFFC000  }
0x8c: {  	_ =	swait.ge [sflag:s18], $0x4000  }
0x8d: {  	[sflag:s18] =	ssyncset.done $0x0  }
0x8e: {  	s22 =	simm.s32 $0x0;
	[sflag:s18] =	ssyncadd.s32 $0xFFFFC000  }
0x8f: {  	v0 =	vld [tilespmem:s22+$0x4170]  }
0x90: {  	v1 =	vld [tilespmem:s22+$0x4080]  }
0x91: {  	v2 =	vld [tilespmem:s22+$0xC170]  }
0x92: {  	v3 =	vld [tilespmem:s22+$0x4090]  }
0x93: {  	v4 =	vld [tilespmem:s22+$0x40A0]  }
0x94: {  	v5 =	vld [tilespmem:s22+$0x40B0]  }
0x95: {  	v6 =	vld [tilespmem:s22+$0x40C0]  }
0x96: {  	v7 =	vld [tilespmem:s22+$0x40D0]  }
0x97: {  	v8 =	vld [tilespmem:s22+$0x40F0]  }
0x98: {  	v9 =	vld [tilespmem:s22+$0x4100]  }
0x99: {  	v10 =	vld [tilespmem:s22+$0x4110]  }
0x9a: {  	v11 =	vld [tilespmem:s22+$0x4120]  }
0x9b: {  	v12 =	vld [tilespmem:s22+$0x4130]  }
0x9c: {  	v13 =	vld [tilespmem:s22+$0x4140]  }
0x9d: {  	v14 =	vld [tilespmem:s22+$0x4150]  }
0x9e: {  	v15 =	vld [tilespmem:s22+$0x4160]  }
0x9f: {  	v16 =	vld [tilespmem:s22+$0xC080]  }
0xa0: {  	v17 =	vld [tilespmem:s22+$0xC090]  }
0xa1: {  	v18 =	vld [tilespmem:s22+$0xC0A0]  }
0xa2: {  	v19 =	vld [tilespmem:s22+$0xC0B0]  }
0xa3: {  	v20 =	vld [tilespmem:s22+$0xC0C0]  }
0xa4: {  	v21 =	vld [tilespmem:s22+$0xC0D0]  }
0xa5: {  	v22 =	vld [tilespmem:s22+$0xC0E0]  }
0xa6: {  	v23 =	vld [tilespmem:s22+$0xC0F0];
	v0 =	vmul.u32 $0x3, v0  }
0xa7: {  	v24 =	vld [tilespmem:s22+$0xC100]  }
0xa8: {  	v25 =	vld [tilespmem:s22+$0xC110];
	v0 =	vadd.s32 v2, v0  }
0xa9: {  	v57 =	vld [tilespmem:s22+$0xC120];
	v1 =	vmul.u32 $0x3, v1  }
0xaa: {  	v58 =	vld [tilespmem:s22+$0xC130];
	v3 =	vmul.u32 $0x3, v3  }
0xab: {  	v59 =	vld [tilespmem:s22+$0xC140];
	v6 =	vmul.u32 $0x3, v6;
	v1 =	vadd.s32 v16, v1  }
0xac: {  	v4 =	vmul.u32 $0x3, v4;
	v2 =	vld [tilespmem:s22+$0x40E0];
	v3 =	vadd.s32 v17, v3  }
0xad: {  	v5 =	vmul.u32 $0x3, v5;
	v6 =	vadd.s32 v20, v6;
	v0 =	vld.idx.msk [tilespmem:v0+s2+$0x0], $0xffff  }
0xae: {  	v60 =	vld [tilespmem:s22+$0xC150];
	v7 =	vmul.u32 $0x3, v7;
	v4 =	vadd.s32 v18, v4  }
0xaf: {  	v61 =	vld [tilespmem:s22+$0xC160];
	v8 =	vmul.u32 $0x3, v8;
	v5 =	vadd.s32 v19, v5  }
0xb0: {  	v9 =	vmul.u32 $0x3, v9;
	v7 =	vadd.s32 v21, v7;
	v1 =	vld.idx.msk [tilespmem:v1+s2+$0x0], $0xffff  }
0xb1: {  	v8 =	vadd.s32 v23, v8;
	v2 =	vmul.u32 $0x3, v2;
	v3 =	vld.idx.msk [tilespmem:v3+s2+$0x0], $0xffff  }
0xb2: {  	v9 =	vadd.s32 v24, v9;
	v6 =	vld.idx.msk [tilespmem:v6+s2+$0x0], $0xffff;
	[tilespmem:s22+$0x14170] =	vst v0;
	v0 =	vmul.u32 $0x3, v13  }
0xb3: {  	v10 =	vmul.u32 $0x3, v10;
	v4 =	vld.idx.msk [tilespmem:v4+s2+$0x0], $0xffff;
	v2 =	vadd.s32 v22, v2  }
0xb4: {  	v11 =	vmul.u32 $0x3, v11;
	v5 =	vld.idx.msk [tilespmem:v5+s2+$0x0], $0xffff;
	v0 =	vadd.s32 v59, v0  }
0xb5: {  	v12 =	vmul.u32 $0x3, v12;
	v10 =	vadd.s32 v25, v10;
	v7 =	vld.idx.msk [tilespmem:v7+s2+$0x0], $0xffff  }
0xb6: {  	v62 =	vmul.u32 $0x3, v14;
	v11 =	vadd.s32 v57, v11;
	v8 =	vld.idx.msk [tilespmem:v8+s2+$0x0], $0xffff;
	[tilespmem:s22+$0x14090] =	vst v3  }
0xb7: {  	v12 =	vadd.s32 v58, v12;
	v3 =	vld.idx.msk [tilespmem:v9+s2+$0x0], $0xffff;
	[tilespmem:s22+$0x140C0] =	vst v6;
	v6 =	vmul.u32 $0x3, v15  }
0xb8: {  	[tilespmem:s22+$0x14080] =	vst v1;
	v13 =	vadd.s32 v60, v62;
	v63 =	vld.idx.msk [tilespmem:v2+s2+$0x0], $0xffff  }
0xb9: {  	[tilespmem:s22+$0x140B0] =	vst v5;
	v5 =	vld.idx.msk [tilespmem:v0+s2+$0x0], $0xffff;
	v0 =	vadd.s32 v61, v6  }
0xba: {  	[tilespmem:s22+$0x140A0] =	vst v4;
	v1 =	vld.idx.msk [tilespmem:v10+s2+$0x0], $0xffff  }
0xbb: {  	[tilespmem:s22+$0x140D0] =	vst v7;
	v2 =	vld.idx.msk [tilespmem:v11+s2+$0x0], $0xffff  }
0xbc: {  	v4 =	vld.idx.msk [tilespmem:v12+s2+$0x0], $0xffff;
	[tilespmem:s22+$0x140F0] =	vst v8  }
0xbd: {  	s24 =	simm.s32 $0x400;
	s23 =	simm.s32 $0x4000;
	[tilespmem:s22+$0x140E0] =	vst v63;
	v6 =	vld.idx.msk [tilespmem:v13+s2+$0x0], $0xffff  }
.LBB2_4:
0xbe: {  	s25 =	sshra.s32 s24, $0x2;
	s23 =	sadd.s32 $0x100, s23;
	[tilespmem:s22+$0x14100] =	vst v3;
	v0 =	vld.idx.msk [tilespmem:v0+s2+$0x0], $0xffff  }
0xbf: {  	v3 =	vld [tilespmem:s25+$0x4170];
	p0 =	slt.u32 s23, $0x7F00;
	[tilespmem:s22+$0x14110] =	vst v1  }
0xc0: {  	v1 =	vld [tilespmem:s25+$0x4080];
	[tilespmem:s22+$0x14120] =	vst v2  }
0xc1: {  	v2 =	vld [tilespmem:s25+$0xC170];
	[tilespmem:s22+$0x14130] =	vst v4  }
0xc2: {  	v4 =	vld [tilespmem:s25+$0x4090];
	[tilespmem:s22+$0x14140] =	vst v5  }
0xc3: {  	v5 =	vld [tilespmem:s25+$0x40A0];
	[tilespmem:s22+$0x14150] =	vst v6  }
0xc4: {  	v6 =	vld [tilespmem:s25+$0x40B0];
	v3 =	vmul.u32 $0x3, v3;
	[tilespmem:s22+$0x14160] =	vst v0;
	s22 =	smov.u32 s25  }
0xc5: {  	v0 =	vmul.u32 $0x3, v1;
	v1 =	vld [tilespmem:s22+$0x40C0]  }
0xc6: {  	v7 =	vld [tilespmem:s22+$0x40D0];
	v2 =	vadd.s32 v2, v3  }
0xc7: {  	v3 =	vmul.u32 $0x3, v4;
	v4 =	vld [tilespmem:s22+$0x40E0]  }
0xc8: {  	v5 =	vmul.u32 $0x3, v5;
	v8 =	vld [tilespmem:s22+$0x40F0]  }
0xc9: {  	v6 =	vmul.u32 $0x3, v6;
	v9 =	vld [tilespmem:s22+$0x4100]  }
0xca: {  	v1 =	vmul.u32 $0x3, v1;
	v10 =	vld [tilespmem:s22+$0x4110]  }
0xcb: {  	v7 =	vmul.u32 $0x3, v7;
	v2 =	vld.idx.msk [tilespmem:v2+s2+$0x0], $0xffff  }
0xcc: {  	v4 =	vmul.u32 $0x3, v4;
	v11 =	vld [tilespmem:s22+$0x4120]  }
0xcd: {  	v8 =	vmul.u32 $0x3, v8;
	v12 =	vld [tilespmem:s22+$0x4130]  }
0xce: {  	v9 =	vmul.u32 $0x3, v9;
	v13 =	vld [tilespmem:s22+$0x4140]  }
0xcf: {  	v10 =	vmul.u32 $0x3, v10;
	v14 =	vld [tilespmem:s22+$0x4150]  }
0xd0: {  	v15 =	vld [tilespmem:s22+$0x4160]  }
0xd1: {  	v16 =	vld [tilespmem:s22+$0xC080];
	v11 =	vmul.u32 $0x3, v11;
	[tilespmem:s22+$0x14170] =	vst v2  }
0xd2: {  	v2 =	vld [tilespmem:s22+$0xC090];
	v12 =	vmul.u32 $0x3, v12  }
0xd3: {  	v17 =	vld [tilespmem:s22+$0xC0A0];
	v13 =	vmul.u32 $0x3, v13  }
0xd4: {  	v18 =	vld [tilespmem:s22+$0xC0B0];
	v14 =	vmul.u32 $0x3, v14  }
0xd5: {  	v19 =	vld [tilespmem:s22+$0xC0C0];
	v15 =	vmul.u32 $0x3, v15  }
0xd6: {  	v0 =	vadd.s32 v16, v0;
	v16 =	vld [tilespmem:s22+$0xC0D0]  }
0xd7: {  	v2 =	vadd.s32 v2, v3;
	v3 =	vld [tilespmem:s22+$0xC0E0]  }
0xd8: {  	v5 =	vadd.s32 v17, v5;
	v17 =	vld [tilespmem:s22+$0xC0F0]  }
0xd9: {  	v6 =	vadd.s32 v18, v6;
	v18 =	vld [tilespmem:s22+$0xC100]  }
0xda: {  	v1 =	vadd.s32 v19, v1;
	v19 =	vld [tilespmem:s22+$0xC110]  }
0xdb: {  	v7 =	vadd.s32 v16, v7;
	v16 =	vld [tilespmem:s22+$0xC120]  }
0xdc: {  	v3 =	vadd.s32 v3, v4;
	v4 =	vld [tilespmem:s22+$0xC130]  }
0xdd: {  	v8 =	vadd.s32 v17, v8;
	v17 =	vld [tilespmem:s22+$0xC140]  }
0xde: {  	v9 =	vadd.s32 v18, v9;
	v18 =	vld [tilespmem:s22+$0xC150]  }
0xdf: {  	v10 =	vadd.s32 v19, v10;
	v19 =	vld [tilespmem:s22+$0xC160]  }
0xe0: {  	v20 =	vld.idx.msk [tilespmem:v0+s2+$0x0], $0xffff;
	v11 =	vadd.s32 v16, v11  }
0xe1: {  	v2 =	vld.idx.msk [tilespmem:v2+s2+$0x0], $0xffff;
	v4 =	vadd.s32 v4, v12  }
0xe2: {  	v5 =	vld.idx.msk [tilespmem:v5+s2+$0x0], $0xffff;
	v12 =	vadd.s32 v17, v13  }
0xe3: {  	v6 =	vld.idx.msk [tilespmem:v6+s2+$0x0], $0xffff;
	v13 =	vadd.s32 v18, v14  }
0xe4: {  	v14 =	vld.idx.msk [tilespmem:v1+s2+$0x0], $0xffff;
	v0 =	vadd.s32 v19, v15  }
0xe5: {  	v7 =	vld.idx.msk [tilespmem:v7+s2+$0x0], $0xffff  }
0xe6: {  	[tilespmem:s22+$0x14080] =	vst v20;
	v15 =	vld.idx.msk [tilespmem:v3+s2+$0x0], $0xffff  }
0xe7: {  	[tilespmem:s22+$0x14090] =	vst v2;
	v8 =	vld.idx.msk [tilespmem:v8+s2+$0x0], $0xffff  }
0xe8: {  	[tilespmem:s22+$0x140A0] =	vst v5;
	v3 =	vld.idx.msk [tilespmem:v9+s2+$0x0], $0xffff  }
.Ltmp1:
0xe9: {  	[tilespmem:s22+$0x140B0] =	vst v6;
	v1 =	vld.idx.msk [tilespmem:v10+s2+$0x0], $0xffff;
	(pc) =	sbr.rel @p0 .LBB2_4-.Ltmp1, $4  }
0xea: {  	[tilespmem:s22+$0x140C0] =	vst v14;
	v2 =	vld.idx.msk [tilespmem:v11+s2+$0x0], $0xffff  }
0xeb: {  	[tilespmem:s22+$0x140D0] =	vst v7;
	v4 =	vld.idx.msk [tilespmem:v4+s2+$0x0], $0xffff  }
0xec: {  	[tilespmem:s22+$0x140E0] =	vst v15;
	v5 =	vld.idx.msk [tilespmem:v12+s2+$0x0], $0xffff  }
0xed: {  	s24 =	sadd.s32 $0x400, s24;
	[tilespmem:s22+$0x140F0] =	vst v8;
	v6 =	vld.idx.msk [tilespmem:v13+s2+$0x0], $0xffff  }
0xee: {  	_ =	sdelay $0x2  }
0xef: {  	[tilespmem:s22+$0x14100] =	vst v3  }
0xf0: {  	v0 =	vld.idx.msk [tilespmem:v0+s2+$0x0], $0xffff;
	[tilespmem:s22+$0x14110] =	vst v1  }
0xf1: {  	[tilespmem:s22+$0x14120] =	vst v2  }
0xf2: {  	[tilespmem:s22+$0x14130] =	vst v4  }
0xf3: {  	[tilespmem:s22+$0x14140] =	vst v5  }
0xf4: {  	[tilespmem:s22+$0x14150] =	vst v6  }
0xf5: {  	s21 =	sadd.s32 $0x1, s21;
	[tilespmem:s22+$0x14160] =	vst v0  }
0xf6: {  	[hbm4b:s9+s2] =	stream.linear.scatter [tilespmem:s19], [sflag:$0x1], $0x4000, $0x38;
	[tilespmem:$0x18080] =	vst v63  }
0xf7: {  	p0 =	sne.s32 s21, s10;
	_ =	swait.ge [sflag:s20], $0x4000  }
.Ltmp2:
0xf8: {  	[sflag:s20] =	ssyncset.done $0x0;
	(pc) =	sbr.rel @p0 .LBB2_1-.Ltmp2, $4  }
0xf9: {  	[sflag:s20] =	ssyncadd.s32 $0xFFFFC000  }
0xfa: {  	_ =	swait.ge [sflag:s20], $0x4000  }
0xfb: {  	[sflag:s20] =	ssyncset.done $0x0  }
0xfc: {  	[sflag:s20] =	ssyncadd.s32 $0xFFFFC000  }
0xfd: {  	_ =	sfence.sel $0x180000  }
0xfe: {  	[bflag:$0x0] =	sbarrier.arrive $0xFFFF  }
0xff: {  	p0 =	sne.s32 s1, $0x0;
	_ =	strace $0x90000047  }
0x100: {  	s0 =	sadd.s32 @!p0 $0x100000, s0;
	[bflag:$0x2] =	sbarrier.arrive $0xFFFF  }
0x101: {  	[sflag:s0] =	ssyncadd.tile.s32 @!p0 $0x1;
	_ =	shalt  }
.Lfunc_end2:
_tile_overlayer_lowered:
.L_overlay_start_2:
0x102: {  	(tag) =	ssettag $0x2  }
0x103: {  	s0 =	rddreg [dreg:$0x0];
	s2 =	stileid.u32  }
0x104: {  	s1 =	rddreg [dreg:$0x1];
	p0 =	sne.s32 s2, $0x0  }
0x105: {  	s3 =	rddreg [dreg:$0x2];
	[bflag:$0x3] =	sbarrier.arrive $0xFFFF;
	s2 =	simm.s32 @!p0 $0x1C04  }
0x106: {  	[timem:s3], [sflag:s2] =	dma.local @!p0 [hbm:s0], s1  }
0x107: {  	s0 =	simm.s32 @!p0 $0x4  }
0x108: {  	_ =	swait.ge @!p0 [sflag:s0], s1  }
0x109: {  	s1 =	ssub.s32 @!p0 $0x0, s1;
	[sflag:s0] =	ssyncset.done @!p0 $0x0  }
0x10a: {  	[sflag:s0] =	ssyncadd.s32 @!p0 s1  }
0x10b: {  	[bflag:$0x3] =	sbarrier.arrive $0xFFFF  }
0x10c: {  	_ =	shalt  }

</sc_bundles>
